<compile_context>
chip_gen: v7x
topology: tpu7x:2x2x1
jax: 0.10.2.dev20260603
libtpu: 0.0.44.dev20260713+nightly
codegen_flags: <defaults>
</compile_context>

<pallas_src>
import jax
import jax.numpy as jnp
from jax import lax
from jax.experimental import pallas as pl
from jax.experimental.pallas import tpu as pltpu
from jax.experimental.pallas import tpu_sc as plsc

N = 4096
D = 128
BLK = 256


SIM_CUT = 0.02000012993812561


def _tc_body(x_ref, xn_ref, idx_ref, xns_ref):
    i = pl.program_id(0)

    @pl.when(i == 0)
    def _():
        x = x_ref[...]
        nrm = jnp.sqrt(jnp.sum(x * x, axis=1, keepdims=True))
        xns_ref[...] = x / jnp.maximum(nrm, 1e-12)

    xn = xns_ref[...]
    rows = xns_ref[pl.ds(i * BLK, BLK), :]
    xn_ref[...] = rows

    sim = lax.dot_general(
        rows, xn, (((1,), (1,)), ((), ())), preferred_element_type=jnp.float32
    )
    col = lax.broadcasted_iota(jnp.int32, (BLK, N), 1)
    row = i * BLK + lax.broadcasted_iota(jnp.int32, (BLK, N), 0)
    score = jnp.where(col == row, -2.0, sim)
    m = jnp.max(score, axis=1)
    am = jnp.argmax(score, axis=1).astype(jnp.int32)
    idx_ref[...] = jnp.where(m > SIM_CUT, am, 0)


def _tc_call(x):
    grid = N // BLK
    return pl.pallas_call(
        _tc_body,
        grid=(grid,),
        in_specs=[pl.BlockSpec((N, D), lambda i: (0, 0))],
        out_specs=[
            pl.BlockSpec((BLK, D), lambda i: (i, 0)),
            pl.BlockSpec((BLK,), lambda i: (i,)),
        ],
        out_shape=[
            jax.ShapeDtypeStruct((N, D), jnp.float32),
            jax.ShapeDtypeStruct((N,), jnp.int32),
        ],
        scratch_shapes=[pltpu.VMEM((N, D), jnp.float32)],
    )(x)


ROWS_PER_W = N // 32
GROUP = 16


def _sc_body(idx_hbm, ones_hbm, out_hbm, idx_v, slab_v, sem_i, sem_o):
    nc = 2
    wid = lax.axis_index("s") * nc + lax.axis_index("c")
    base = wid * ROWS_PER_W
    h_idx = pltpu.async_copy(idx_hbm.at[pl.ds(base, ROWS_PER_W)], idx_v, sem_i)
    h_ones = pltpu.async_copy(ones_hbm, slab_v, sem_o)
    h_idx.wait()
    h_ones.wait()

    ones = jnp.ones((16,), jnp.float32)
    zeros = jnp.zeros((16,), jnp.float32)
    lanes = lax.iota(jnp.int32, 16)

    for g in range(ROWS_PER_W // GROUP):
        cols = idx_v[pl.ds(g * GROUP, GROUP)]
        plsc.store_scatter(slab_v, [lanes, cols], zeros)
        pltpu.sync_copy(
            slab_v, out_hbm.at[pl.ds(base + g * GROUP, GROUP), :]
        )
        plsc.store_scatter(slab_v, [lanes, cols], ones)


def _sc_call(neg_idx):
    mesh = plsc.VectorSubcoreMesh(core_axis_name="c", subcore_axis_name="s")
    ones2d = jnp.ones((GROUP, N), jnp.float32)
    return pl.kernel(
        _sc_body,
        out_type=jax.ShapeDtypeStruct((N, N), jnp.float32),
        mesh=mesh,
        scratch_types=[
            pltpu.VMEM((ROWS_PER_W,), jnp.int32),
            pltpu.VMEM((GROUP, N), jnp.float32),
            pltpu.SemaphoreType.DMA,
            pltpu.SemaphoreType.DMA,
        ],
        compiler_params=pltpu.CompilerParams(needs_layout_passes=False),
    )(neg_idx, ones2d)


@jax.jit
def kernel(x):
    xn, neg_idx = _tc_call(x)
    clm = _sc_call(neg_idx)
    return (xn, clm)

# --- scband reference (transcript-rebuilt; emitter-appended) ---
"""Pipeline reference for scband-distance-weighted-sampling-88673894793570 (READ-ONLY COPY).

The authoritative reference and input builder live on the scoring server;
editing this copy changes nothing except your own understanding.
"""

import jax, jax.numpy as jnp
import numpy as np

CUTOFF = 1e-08
NONZERO_LOSS_CUTOFF = 1.4
NORMALIZE = True


def setup_inputs(seed: int = 0) -> dict:
    key = jax.random.key(seed)
    x = jax.random.normal(key, (4096, 128), dtype=jnp.float32)
    return {"x": x}


def reference(x):
    n, d = x.shape
    # F.normalize(x): L2-normalize rows with eps=1e-12
    nrm = jnp.sqrt(jnp.sum(x * x, axis=1, keepdims=True))
    xn = x / jnp.maximum(nrm, 1e-12)

    # get_distance on detached (stop_gradient) normalized x
    _x = jax.lax.stop_gradient(xn)
    sim = jnp.matmul(_x, _x.T)
    sim = jnp.minimum(sim, 1.0)
    dist = jnp.sqrt(2.0 - 2.0 * sim)
    distance = jnp.maximum(dist, CUTOFF)

    negative_log_weights = (2.0 - float(d)) * jnp.log(distance) - (float(d - 3) / 2.0) * jnp.log(
        jnp.maximum(1.0 - 0.25 * (distance * distance), 1e-08)
    )
    positive_log_weights = -negative_log_weights

    if NORMALIZE:
        nmin = jnp.min(negative_log_weights)
        nmax = jnp.max(negative_log_weights)
        negative_log_weights = (negative_log_weights - nmin) / (nmax - nmin + 1e-08)
        pmin = jnp.min(positive_log_weights)
        pmax = jnp.max(positive_log_weights)
        positive_log_weights = (positive_log_weights - pmin) / (pmax - pmin + 1e-08)

    negative_weights = jnp.exp(negative_log_weights - jnp.max(negative_log_weights))
    positive_weights = jnp.exp(positive_log_weights - jnp.max(positive_log_weights))

    mask = jnp.ones_like(negative_weights) - jnp.eye(n, dtype=negative_weights.dtype)

    negative_weights = negative_weights * mask * (distance < NONZERO_LOSS_CUTOFF).astype(jnp.float32) + 1e-08
    negative_weights = negative_weights / jnp.sum(negative_weights, axis=1, keepdims=True)

    positive_weights = positive_weights * mask + 1e-08
    positive_weights = positive_weights / jnp.sum(positive_weights, axis=1, keepdims=True)

    positive_indices = jnp.argmax(positive_weights, axis=1)
    negative_indices = jnp.argmax(negative_weights, axis=1)

    class_label_matrix = jnp.ones_like(distance)
    class_label_matrix = class_label_matrix.at[jnp.arange(n), negative_indices].set(0.0)

    return (xn, class_label_matrix)

if __name__ == "__main__":
    import jax
    _d = setup_inputs()
    print(jax.jit(kernel)(*tuple(_d.values())))

</pallas_src>

<mosaic_0001>
#map = affine_map<(d0, d1) -> (0)>
#map1 = affine_map<(d0, d1) -> (0, 0)>
module attributes {stable_mosaic.version = 14 : i64} {
  func.func @_sc_body(%arg0: i32, %arg1: i32, %arg2: memref<4096xi32, #tpu.memory_space<hbm>>, %arg3: memref<16x4096xf32, #tpu.memory_space<hbm>>, %arg4: memref<4096x4096xf32, #tpu.memory_space<hbm>>, %arg5: memref<128xi32, #tpu.memory_space<vmem>>, %arg6: memref<16x4096xf32, #tpu.memory_space<vmem>>, %arg7: memref<!tpu.dma_semaphore, #tpu.memory_space<semaphore_mem>>, %arg8: memref<!tpu.dma_semaphore, #tpu.memory_space<semaphore_mem>>) attributes {dimension_semantics = [#tpu.dimension_semantics<core_parallel>, #tpu.dimension_semantics<subcore_parallel>], iteration_bounds = array<i64: 2, 16>, scalar_prefetch = 0 : i64, scratch_operands = 4 : i64, tpu.core_type = #tpu.core_type<sc_vector_subcore>, window_params = [{transform_indices = #map}, {transform_indices = #map1}, {transform_indices = #map1}]} {
    %mul3A = arith.constant 2 : i32
    %mul3A_0 = arith.muli %arg1, %mul3A : i32
    %add3A = arith.addi %mul3A_0, %arg0 : i32
    %mul3A_1 = arith.constant 128 : i32
    %mul3A_2 = arith.muli %add3A, %mul3A_1 : i32
    %dma_start3A = tpu.memref_slice %arg2[%mul3A_2] : memref<4096xi32, #tpu.memory_space<hbm>> -> memref<128xi32, #tpu.memory_space<hbm>>
    %dma_start3A_3 = tpu.memref_slice %arg2[%mul3A_2] : memref<4096xi32, #tpu.memory_space<hbm>> -> memref<128xi32, #tpu.memory_space<hbm>>
    tpu.enqueue_dma source(%dma_start3A_3 : memref<128xi32, #tpu.memory_space<hbm>>) target(%arg5 : memref<128xi32, #tpu.memory_space<vmem>>) target_semaphore(%arg7 : memref<!tpu.dma_semaphore, #tpu.memory_space<semaphore_mem>>)
    tpu.enqueue_dma source(%arg3 : memref<16x4096xf32, #tpu.memory_space<hbm>>) target(%arg6 : memref<16x4096xf32, #tpu.memory_space<vmem>>) target_semaphore(%arg8 : memref<!tpu.dma_semaphore, #tpu.memory_space<semaphore_mem>>)
    %dma_wait3A = tpu.memref_slice %arg2[%mul3A_2] : memref<4096xi32, #tpu.memory_space<hbm>> -> memref<128xi32, #tpu.memory_space<hbm>>
    %dma_wait3A_4 = tpu.memref_slice %arg2[%mul3A_2] : memref<4096xi32, #tpu.memory_space<hbm>> -> memref<128xi32, #tpu.memory_space<hbm>>
    tpu.wait_dma2 semaphore(%arg7 : memref<!tpu.dma_semaphore, #tpu.memory_space<semaphore_mem>>) src(%dma_wait3A_4 : memref<128xi32, #tpu.memory_space<hbm>>) dst(%arg5 : memref<128xi32, #tpu.memory_space<vmem>>)
    tpu.wait_dma2 semaphore(%arg8 : memref<!tpu.dma_semaphore, #tpu.memory_space<semaphore_mem>>) src(%arg3 : memref<16x4096xf32, #tpu.memory_space<hbm>>) dst(%arg6 : memref<16x4096xf32, #tpu.memory_space<vmem>>)
    %broadcast_in_dim3A = arith.constant 1.000000e+00 : f32
    %broadcast_in_dim3A_5 = vector.broadcast %broadcast_in_dim3A : f32 to vector<16xf32>
    %broadcast_in_dim3A_6 = arith.constant 0.000000e+00 : f32
    %broadcast_in_dim3A_7 = vector.broadcast %broadcast_in_dim3A_6 : f32 to vector<16xf32>
    %iota3A = tpu.iota {dimensions = array<i32: 0>} : vector<16xi32>
    %get3A = arith.constant 0 : index
    %get3A_8 = tpu.vector_load %arg5[%get3A] {strides = array<i32>} : memref<128xi32, #tpu.memory_space<vmem>>, vector<16xi32>,
    tpu.vector_store_idx %arg6[%iota3A, %get3A_8], %broadcast_in_dim3A_7 : memref<16x4096xf32, #tpu.memory_space<vmem>>[vector<16xi32>, vector<16xi32>], vector<16xf32>,
    %add3A_9 = arith.constant 0 : i32
    %add3A_10 = arith.addi %mul3A_2, %add3A_9 : i32
    "tpu.region"() ({
      %run_scoped3A = tpu.sem_alloc : memref<!tpu.dma_semaphore, #tpu.memory_space<semaphore_mem>>
      %dma_start3A_39 = arith.constant 0 : i32
      %dma_start3A_40 = tpu.memref_slice %arg4[%add3A_10, %dma_start3A_39] : memref<4096x4096xf32, #tpu.memory_space<hbm>> -> memref<16x4096xf32, #tpu.memory_space<hbm>>
      %dma_start3A_41 = arith.constant 0 : i32
      %dma_start3A_42 = tpu.memref_slice %arg4[%add3A_10, %dma_start3A_41] : memref<4096x4096xf32, #tpu.memory_space<hbm>> -> memref<16x4096xf32, #tpu.memory_space<hbm>>
      tpu.enqueue_dma source(%arg6 : memref<16x4096xf32, #tpu.memory_space<vmem>>) target(%dma_start3A_42 : memref<16x4096xf32, #tpu.memory_space<hbm>>) target_semaphore(%run_scoped3A : memref<!tpu.dma_semaphore, #tpu.memory_space<semaphore_mem>>)
      %dma_wait3A_43 = arith.constant 0 : i32
      %dma_wait3A_44 = tpu.memref_slice %arg4[%add3A_10, %dma_wait3A_43] : memref<4096x4096xf32, #tpu.memory_space<hbm>> -> memref<16x4096xf32, #tpu.memory_space<hbm>>
      %dma_wait3A_45 = arith.constant 0 : i32
      %dma_wait3A_46 = tpu.memref_slice %arg4[%add3A_10, %dma_wait3A_45] : memref<4096x4096xf32, #tpu.memory_space<hbm>> -> memref<16x4096xf32, #tpu.memory_space<hbm>>
      tpu.wait_dma2 semaphore(%run_scoped3A : memref<!tpu.dma_semaphore, #tpu.memory_space<semaphore_mem>>) src(%arg6 : memref<16x4096xf32, #tpu.memory_space<vmem>>) dst(%dma_wait3A_46 : memref<16x4096xf32, #tpu.memory_space<hbm>>)
      tpu.yield
    }) : () -> ()
    tpu.vector_store_idx %arg6[%iota3A, %get3A_8], %broadcast_in_dim3A_5 : memref<16x4096xf32, #tpu.memory_space<vmem>>[vector<16xi32>, vector<16xi32>], vector<16xf32>,
    %get3A_11 = arith.constant 16 : index
    %get3A_12 = tpu.vector_load %arg5[%get3A_11] {strides = array<i32>} : memref<128xi32, #tpu.memory_space<vmem>>, vector<16xi32>,
    tpu.vector_store_idx %arg6[%iota3A, %get3A_12], %broadcast_in_dim3A_7 : memref<16x4096xf32, #tpu.memory_space<vmem>>[vector<16xi32>, vector<16xi32>], vector<16xf32>,
    %add3A_13 = arith.constant 16 : i32
    %add3A_14 = arith.addi %mul3A_2, %add3A_13 : i32
    "tpu.region"() ({
      %run_scoped3A = tpu.sem_alloc : memref<!tpu.dma_semaphore, #tpu.memory_space<semaphore_mem>>
      %dma_start3A_39 = arith.constant 0 : i32
      %dma_start3A_40 = tpu.memref_slice %arg4[%add3A_14, %dma_start3A_39] : memref<4096x4096xf32, #tpu.memory_space<hbm>> -> memref<16x4096xf32, #tpu.memory_space<hbm>>
      %dma_start3A_41 = arith.constant 0 : i32
      %dma_start3A_42 = tpu.memref_slice %arg4[%add3A_14, %dma_start3A_41] : memref<4096x4096xf32, #tpu.memory_space<hbm>> -> memref<16x4096xf32, #tpu.memory_space<hbm>>
      tpu.enqueue_dma source(%arg6 : memref<16x4096xf32, #tpu.memory_space<vmem>>) target(%dma_start3A_42 : memref<16x4096xf32, #tpu.memory_space<hbm>>) target_semaphore(%run_scoped3A : memref<!tpu.dma_semaphore, #tpu.memory_space<semaphore_mem>>)
      %dma_wait3A_43 = arith.constant 0 : i32
      %dma_wait3A_44 = tpu.memref_slice %arg4[%add3A_14, %dma_wait3A_43] : memref<4096x4096xf32, #tpu.memory_space<hbm>> -> memref<16x4096xf32, #tpu.memory_space<hbm>>
      %dma_wait3A_45 = arith.constant 0 : i32
      %dma_wait3A_46 = tpu.memref_slice %arg4[%add3A_14, %dma_wait3A_45] : memref<4096x4096xf32, #tpu.memory_space<hbm>> -> memref<16x4096xf32, #tpu.memory_space<hbm>>
      tpu.wait_dma2 semaphore(%run_scoped3A : memref<!tpu.dma_semaphore, #tpu.memory_space<semaphore_mem>>) src(%arg6 : memref<16x4096xf32, #tpu.memory_space<vmem>>) dst(%dma_wait3A_46 : memref<16x4096xf32, #tpu.memory_space<hbm>>)
      tpu.yield
    }) : () -> ()
    tpu.vector_store_idx %arg6[%iota3A, %get3A_12], %broadcast_in_dim3A_5 : memref<16x4096xf32, #tpu.memory_space<vmem>>[vector<16xi32>, vector<16xi32>], vector<16xf32>,
    %get3A_15 = arith.constant 32 : index
    %get3A_16 = tpu.vector_load %arg5[%get3A_15] {strides = array<i32>} : memref<128xi32, #tpu.memory_space<vmem>>, vector<16xi32>,
    tpu.vector_store_idx %arg6[%iota3A, %get3A_16], %broadcast_in_dim3A_7 : memref<16x4096xf32, #tpu.memory_space<vmem>>[vector<16xi32>, vector<16xi32>], vector<16xf32>,
    %add3A_17 = arith.constant 32 : i32
    %add3A_18 = arith.addi %mul3A_2, %add3A_17 : i32
    "tpu.region"() ({
      %run_scoped3A = tpu.sem_alloc : memref<!tpu.dma_semaphore, #tpu.memory_space<semaphore_mem>>
      %dma_start3A_39 = arith.constant 0 : i32
      %dma_start3A_40 = tpu.memref_slice %arg4[%add3A_18, %dma_start3A_39] : memref<4096x4096xf32, #tpu.memory_space<hbm>> -> memref<16x4096xf32, #tpu.memory_space<hbm>>
      %dma_start3A_41 = arith.constant 0 : i32
      %dma_start3A_42 = tpu.memref_slice %arg4[%add3A_18, %dma_start3A_41] : memref<4096x4096xf32, #tpu.memory_space<hbm>> -> memref<16x4096xf32, #tpu.memory_space<hbm>>
      tpu.enqueue_dma source(%arg6 : memref<16x4096xf32, #tpu.memory_space<vmem>>) target(%dma_start3A_42 : memref<16x4096xf32, #tpu.memory_space<hbm>>) target_semaphore(%run_scoped3A : memref<!tpu.dma_semaphore, #tpu.memory_space<semaphore_mem>>)
      %dma_wait3A_43 = arith.constant 0 : i32
      %dma_wait3A_44 = tpu.memref_slice %arg4[%add3A_18, %dma_wait3A_43] : memref<4096x4096xf32, #tpu.memory_space<hbm>> -> memref<16x4096xf32, #tpu.memory_space<hbm>>
      %dma_wait3A_45 = arith.constant 0 : i32
      %dma_wait3A_46 = tpu.memref_slice %arg4[%add3A_18, %dma_wait3A_45] : memref<4096x4096xf32, #tpu.memory_space<hbm>> -> memref<16x4096xf32, #tpu.memory_space<hbm>>
      tpu.wait_dma2 semaphore(%run_scoped3A : memref<!tpu.dma_semaphore, #tpu.memory_space<semaphore_mem>>) src(%arg6 : memref<16x4096xf32, #tpu.memory_space<vmem>>) dst(%dma_wait3A_46 : memref<16x4096xf32, #tpu.memory_space<hbm>>)
      tpu.yield
    }) : () -> ()
    tpu.vector_store_idx %arg6[%iota3A, %get3A_16], %broadcast_in_dim3A_5 : memref<16x4096xf32, #tpu.memory_space<vmem>>[vector<16xi32>, vector<16xi32>], vector<16xf32>,
    %get3A_19 = arith.constant 48 : index
    %get3A_20 = tpu.vector_load %arg5[%get3A_19] {strides = array<i32>} : memref<128xi32, #tpu.memory_space<vmem>>, vector<16xi32>,
    tpu.vector_store_idx %arg6[%iota3A, %get3A_20], %broadcast_in_dim3A_7 : memref<16x4096xf32, #tpu.memory_space<vmem>>[vector<16xi32>, vector<16xi32>], vector<16xf32>,
    %add3A_21 = arith.constant 48 : i32
    %add3A_22 = arith.addi %mul3A_2, %add3A_21 : i32
    "tpu.region"() ({
      %run_scoped3A = tpu.sem_alloc : memref<!tpu.dma_semaphore, #tpu.memory_space<semaphore_mem>>
      %dma_start3A_39 = arith.constant 0 : i32
      %dma_start3A_40 = tpu.memref_slice %arg4[%add3A_22, %dma_start3A_39] : memref<4096x4096xf32, #tpu.memory_space<hbm>> -> memref<16x4096xf32, #tpu.memory_space<hbm>>
      %dma_start3A_41 = arith.constant 0 : i32
      %dma_start3A_42 = tpu.memref_slice %arg4[%add3A_22, %dma_start3A_41] : memref<4096x4096xf32, #tpu.memory_space<hbm>> -> memref<16x4096xf32, #tpu.memory_space<hbm>>
      tpu.enqueue_dma source(%arg6 : memref<16x4096xf32, #tpu.memory_space<vmem>>) target(%dma_start3A_42 : memref<16x4096xf32, #tpu.memory_space<hbm>>) target_semaphore(%run_scoped3A : memref<!tpu.dma_semaphore, #tpu.memory_space<semaphore_mem>>)
      %dma_wait3A_43 = arith.constant 0 : i32
      %dma_wait3A_44 = tpu.memref_slice %arg4[%add3A_22, %dma_wait3A_43] : memref<4096x4096xf32, #tpu.memory_space<hbm>> -> memref<16x4096xf32, #tpu.memory_space<hbm>>
      %dma_wait3A_45 = arith.constant 0 : i32
      %dma_wait3A_46 = tpu.memref_slice %arg4[%add3A_22, %dma_wait3A_45] : memref<4096x4096xf32, #tpu.memory_space<hbm>> -> memref<16x4096xf32, #tpu.memory_space<hbm>>
      tpu.wait_dma2 semaphore(%run_scoped3A : memref<!tpu.dma_semaphore, #tpu.memory_space<semaphore_mem>>) src(%arg6 : memref<16x4096xf32, #tpu.memory_space<vmem>>) dst(%dma_wait3A_46 : memref<16x4096xf32, #tpu.memory_space<hbm>>)
      tpu.yield
    }) : () -> ()
    tpu.vector_store_idx %arg6[%iota3A, %get3A_20], %broadcast_in_dim3A_5 : memref<16x4096xf32, #tpu.memory_space<vmem>>[vector<16xi32>, vector<16xi32>], vector<16xf32>,
    %get3A_23 = arith.constant 64 : index
    %get3A_24 = tpu.vector_load %arg5[%get3A_23] {strides = array<i32>} : memref<128xi32, #tpu.memory_space<vmem>>, vector<16xi32>,
    tpu.vector_store_idx %arg6[%iota3A, %get3A_24], %broadcast_in_dim3A_7 : memref<16x4096xf32, #tpu.memory_space<vmem>>[vector<16xi32>, vector<16xi32>], vector<16xf32>,
    %add3A_25 = arith.constant 64 : i32
    %add3A_26 = arith.addi %mul3A_2, %add3A_25 : i32
    "tpu.region"() ({
      %run_scoped3A = tpu.sem_alloc : memref<!tpu.dma_semaphore, #tpu.memory_space<semaphore_mem>>
      %dma_start3A_39 = arith.constant 0 : i32
      %dma_start3A_40 = tpu.memref_slice %arg4[%add3A_26, %dma_start3A_39] : memref<4096x4096xf32, #tpu.memory_space<hbm>> -> memref<16x4096xf32, #tpu.memory_space<hbm>>
      %dma_start3A_41 = arith.constant 0 : i32
      %dma_start3A_42 = tpu.memref_slice %arg4[%add3A_26, %dma_start3A_41] : memref<4096x4096xf32, #tpu.memory_space<hbm>> -> memref<16x4096xf32, #tpu.memory_space<hbm>>
      tpu.enqueue_dma source(%arg6 : memref<16x4096xf32, #tpu.memory_space<vmem>>) target(%dma_start3A_42 : memref<16x4096xf32, #tpu.memory_space<hbm>>) target_semaphore(%run_scoped3A : memref<!tpu.dma_semaphore, #tpu.memory_space<semaphore_mem>>)
      %dma_wait3A_43 = arith.constant 0 : i32
      %dma_wait3A_44 = tpu.memref_slice %arg4[%add3A_26, %dma_wait3A_43] : memref<4096x4096xf32, #tpu.memory_space<hbm>> -> memref<16x4096xf32, #tpu.memory_space<hbm>>
      %dma_wait3A_45 = arith.constant 0 : i32
      %dma_wait3A_46 = tpu.memref_slice %arg4[%add3A_26, %dma_wait3A_45] : memref<4096x4096xf32, #tpu.memory_space<hbm>> -> memref<16x4096xf32, #tpu.memory_space<hbm>>
      tpu.wait_dma2 semaphore(%run_scoped3A : memref<!tpu.dma_semaphore, #tpu.memory_space<semaphore_mem>>) src(%arg6 : memref<16x4096xf32, #tpu.memory_space<vmem>>) dst(%dma_wait3A_46 : memref<16x4096xf32, #tpu.memory_space<hbm>>)
      tpu.yield
    }) : () -> ()
    tpu.vector_store_idx %arg6[%iota3A, %get3A_24], %broadcast_in_dim3A_5 : memref<16x4096xf32, #tpu.memory_space<vmem>>[vector<16xi32>, vector<16xi32>], vector<16xf32>,
    %get3A_27 = arith.constant 80 : index
    %get3A_28 = tpu.vector_load %arg5[%get3A_27] {strides = array<i32>} : memref<128xi32, #tpu.memory_space<vmem>>, vector<16xi32>,
    tpu.vector_store_idx %arg6[%iota3A, %get3A_28], %broadcast_in_dim3A_7 : memref<16x4096xf32, #tpu.memory_space<vmem>>[vector<16xi32>, vector<16xi32>], vector<16xf32>,
    %add3A_29 = arith.constant 80 : i32
    %add3A_30 = arith.addi %mul3A_2, %add3A_29 : i32
    "tpu.region"() ({
      %run_scoped3A = tpu.sem_alloc : memref<!tpu.dma_semaphore, #tpu.memory_space<semaphore_mem>>
      %dma_start3A_39 = arith.constant 0 : i32
      %dma_start3A_40 = tpu.memref_slice %arg4[%add3A_30, %dma_start3A_39] : memref<4096x4096xf32, #tpu.memory_space<hbm>> -> memref<16x4096xf32, #tpu.memory_space<hbm>>
      %dma_start3A_41 = arith.constant 0 : i32
      %dma_start3A_42 = tpu.memref_slice %arg4[%add3A_30, %dma_start3A_41] : memref<4096x4096xf32, #tpu.memory_space<hbm>> -> memref<16x4096xf32, #tpu.memory_space<hbm>>
      tpu.enqueue_dma source(%arg6 : memref<16x4096xf32, #tpu.memory_space<vmem>>) target(%dma_start3A_42 : memref<16x4096xf32, #tpu.memory_space<hbm>>) target_semaphore(%run_scoped3A : memref<!tpu.dma_semaphore, #tpu.memory_space<semaphore_mem>>)
      %dma_wait3A_43 = arith.constant 0 : i32
      %dma_wait3A_44 = tpu.memref_slice %arg4[%add3A_30, %dma_wait3A_43] : memref<4096x4096xf32, #tpu.memory_space<hbm>> -> memref<16x4096xf32, #tpu.memory_space<hbm>>
      %dma_wait3A_45 = arith.constant 0 : i32
      %dma_wait3A_46 = tpu.memref_slice %arg4[%add3A_30, %dma_wait3A_45] : memref<4096x4096xf32, #tpu.memory_space<hbm>> -> memref<16x4096xf32, #tpu.memory_space<hbm>>
      tpu.wait_dma2 semaphore(%run_scoped3A : memref<!tpu.dma_semaphore, #tpu.memory_space<semaphore_mem>>) src(%arg6 : memref<16x4096xf32, #tpu.memory_space<vmem>>) dst(%dma_wait3A_46 : memref<16x4096xf32, #tpu.memory_space<hbm>>)
      tpu.yield
    }) : () -> ()
    tpu.vector_store_idx %arg6[%iota3A, %get3A_28], %broadcast_in_dim3A_5 : memref<16x4096xf32, #tpu.memory_space<vmem>>[vector<16xi32>, vector<16xi32>], vector<16xf32>,
    %get3A_31 = arith.constant 96 : index
    %get3A_32 = tpu.vector_load %arg5[%get3A_31] {strides = array<i32>} : memref<128xi32, #tpu.memory_space<vmem>>, vector<16xi32>,
    tpu.vector_store_idx %arg6[%iota3A, %get3A_32], %broadcast_in_dim3A_7 : memref<16x4096xf32, #tpu.memory_space<vmem>>[vector<16xi32>, vector<16xi32>], vector<16xf32>,
    %add3A_33 = arith.constant 96 : i32
    %add3A_34 = arith.addi %mul3A_2, %add3A_33 : i32
    "tpu.region"() ({
      %run_scoped3A = tpu.sem_alloc : memref<!tpu.dma_semaphore, #tpu.memory_space<semaphore_mem>>
      %dma_start3A_39 = arith.constant 0 : i32
      %dma_start3A_40 = tpu.memref_slice %arg4[%add3A_34, %dma_start3A_39] : memref<4096x4096xf32, #tpu.memory_space<hbm>> -> memref<16x4096xf32, #tpu.memory_space<hbm>>
      %dma_start3A_41 = arith.constant 0 : i32
      %dma_start3A_42 = tpu.memref_slice %arg4[%add3A_34, %dma_start3A_41] : memref<4096x4096xf32, #tpu.memory_space<hbm>> -> memref<16x4096xf32, #tpu.memory_space<hbm>>
      tpu.enqueue_dma source(%arg6 : memref<16x4096xf32, #tpu.memory_space<vmem>>) target(%dma_start3A_42 : memref<16x4096xf32, #tpu.memory_space<hbm>>) target_semaphore(%run_scoped3A : memref<!tpu.dma_semaphore, #tpu.memory_space<semaphore_mem>>)
      %dma_wait3A_43 = arith.constant 0 : i32
      %dma_wait3A_44 = tpu.memref_slice %arg4[%add3A_34, %dma_wait3A_43] : memref<4096x4096xf32, #tpu.memory_space<hbm>> -> memref<16x4096xf32, #tpu.memory_space<hbm>>
      %dma_wait3A_45 = arith.constant 0 : i32
      %dma_wait3A_46 = tpu.memref_slice %arg4[%add3A_34, %dma_wait3A_45] : memref<4096x4096xf32, #tpu.memory_space<hbm>> -> memref<16x4096xf32, #tpu.memory_space<hbm>>
      tpu.wait_dma2 semaphore(%run_scoped3A : memref<!tpu.dma_semaphore, #tpu.memory_space<semaphore_mem>>) src(%arg6 : memref<16x4096xf32, #tpu.memory_space<vmem>>) dst(%dma_wait3A_46 : memref<16x4096xf32, #tpu.memory_space<hbm>>)
      tpu.yield
    }) : () -> ()
    tpu.vector_store_idx %arg6[%iota3A, %get3A_32], %broadcast_in_dim3A_5 : memref<16x4096xf32, #tpu.memory_space<vmem>>[vector<16xi32>, vector<16xi32>], vector<16xf32>,
    %get3A_35 = arith.constant 112 : index
    %get3A_36 = tpu.vector_load %arg5[%get3A_35] {strides = array<i32>} : memref<128xi32, #tpu.memory_space<vmem>>, vector<16xi32>,
    tpu.vector_store_idx %arg6[%iota3A, %get3A_36], %broadcast_in_dim3A_7 : memref<16x4096xf32, #tpu.memory_space<vmem>>[vector<16xi32>, vector<16xi32>], vector<16xf32>,
    %add3A_37 = arith.constant 112 : i32
    %add3A_38 = arith.addi %mul3A_2, %add3A_37 : i32
    "tpu.region"() ({
      %run_scoped3A = tpu.sem_alloc : memref<!tpu.dma_semaphore, #tpu.memory_space<semaphore_mem>>
      %dma_start3A_39 = arith.constant 0 : i32
      %dma_start3A_40 = tpu.memref_slice %arg4[%add3A_38, %dma_start3A_39] : memref<4096x4096xf32, #tpu.memory_space<hbm>> -> memref<16x4096xf32, #tpu.memory_space<hbm>>
      %dma_start3A_41 = arith.constant 0 : i32
      %dma_start3A_42 = tpu.memref_slice %arg4[%add3A_38, %dma_start3A_41] : memref<4096x4096xf32, #tpu.memory_space<hbm>> -> memref<16x4096xf32, #tpu.memory_space<hbm>>
      tpu.enqueue_dma source(%arg6 : memref<16x4096xf32, #tpu.memory_space<vmem>>) target(%dma_start3A_42 : memref<16x4096xf32, #tpu.memory_space<hbm>>) target_semaphore(%run_scoped3A : memref<!tpu.dma_semaphore, #tpu.memory_space<semaphore_mem>>)
      %dma_wait3A_43 = arith.constant 0 : i32
      %dma_wait3A_44 = tpu.memref_slice %arg4[%add3A_38, %dma_wait3A_43] : memref<4096x4096xf32, #tpu.memory_space<hbm>> -> memref<16x4096xf32, #tpu.memory_space<hbm>>
      %dma_wait3A_45 = arith.constant 0 : i32
      %dma_wait3A_46 = tpu.memref_slice %arg4[%add3A_38, %dma_wait3A_45] : memref<4096x4096xf32, #tpu.memory_space<hbm>> -> memref<16x4096xf32, #tpu.memory_space<hbm>>
      tpu.wait_dma2 semaphore(%run_scoped3A : memref<!tpu.dma_semaphore, #tpu.memory_space<semaphore_mem>>) src(%arg6 : memref<16x4096xf32, #tpu.memory_space<vmem>>) dst(%dma_wait3A_46 : memref<16x4096xf32, #tpu.memory_space<hbm>>)
      tpu.yield
    }) : () -> ()
    tpu.vector_store_idx %arg6[%iota3A, %get3A_36], %broadcast_in_dim3A_5 : memref<16x4096xf32, #tpu.memory_space<vmem>>[vector<16xi32>, vector<16xi32>], vector<16xf32>,
    return
  }
}

module attributes {stable_mosaic.version = 14 : i64} {
  func.func @_tc_body(%arg0: i32, %arg1: memref<4096x128xf32, #tpu.memory_space<vmem>>, %arg2: memref<256x128xf32, #tpu.memory_space<vmem>>, %arg3: memref<256xi32, #tpu.memory_space<vmem>>, %arg4: memref<4096x128xf32, #tpu.memory_space<vmem>>) attributes {dimension_semantics = [#tpu.dimension_semantics<arbitrary>], iteration_bounds = array<i64: 16>, scalar_prefetch = 0 : i64, scratch_operands = 1 : i64, tpu.core_type = #tpu.core_type<tc>, window_params = [{pipeline_mode = #tpu.pipeline_mode<synchronous>, transform_indices = @transform_0, window_bounds = array<i64: 4096, 128>}, {transform_indices = @transform_1, window_bounds = array<i64: 256, 128>}, {transform_indices = @transform_2, window_bounds = array<i64: 256>}]} {
    %eq3A = arith.constant 0 : i32
    %eq3A_0 = arith.cmpi eq, %arg0, %eq3A : i32
    %convert_element_type3A = arith.extui %eq3A_0 : i1 to i32
    %cond3A = arith.constant 0 : i32
    %cond3A_1 = arith.cmpi ne, %convert_element_type3A, %cond3A : i32
    scf.if %cond3A_1 {
      %get3A_24 = arith.constant 0 : index
      %get3A_25 = arith.constant 0 : index
      %get3A_26 = vector.load %arg1[%get3A_24, %get3A_25] : memref<4096x128xf32, #tpu.memory_space<vmem>>, vector<4096x128xf32>
      %mul3A_27 = arith.mulf %get3A_26, %get3A_26 : vector<4096x128xf32>
      %reduce_sum3A = arith.constant dense<0.000000e+00> : vector<4096xf32>
      %reduce_sum3A_28 = vector.multi_reduction <add>, %mul3A_27, %reduce_sum3A [1] : vector<4096x128xf32> to vector<4096xf32>
      %broadcast_in_dim3A_29 = vector.shape_cast %reduce_sum3A_28 : vector<4096xf32> to vector<4096x1xf32>
      %sqrt3A = math.sqrt %broadcast_in_dim3A_29 : vector<4096x1xf32>
      %max3A = arith.constant 9.99999996E-13 : f32
      %max3A_30 = vector.broadcast %max3A : f32 to vector<4096x1xf32>
      %max3A_31 = arith.maximumf %sqrt3A, %max3A_30 : vector<4096x1xf32>
      %div3A = vector.broadcast %max3A_31 : vector<4096x1xf32> to vector<4096x128xf32>
      %div3A_32 = arith.divf %get3A_26, %div3A : vector<4096x128xf32>
      %swap3A_33 = arith.constant 0 : index
      %swap3A_34 = arith.constant 0 : index
      %swap3A_35 = vector.load %arg4[%swap3A_33, %swap3A_34] : memref<4096x128xf32, #tpu.memory_space<vmem>>, vector<4096x128xf32>
      tpu.vector_store %arg4[%swap3A_33, %swap3A_34], %div3A_32 {strides = array<i32>} : memref<4096x128xf32, #tpu.memory_space<vmem>>, vector<4096x128xf32>,
    } else {
    }
    %get3A = arith.constant 0 : index
    %get3A_2 = arith.constant 0 : index
    %get3A_3 = vector.load %arg4[%get3A, %get3A_2] : memref<4096x128xf32, #tpu.memory_space<vmem>>, vector<4096x128xf32>
    %mul3A = arith.constant 256 : i32
    %mul3A_4 = arith.muli %arg0, %mul3A : i32
    %get3A_5 = arith.index_cast %mul3A_4 : i32 to index
    %get3A_6 = arith.constant 0 : index
    %get3A_7 = vector.load %arg4[%get3A_5, %get3A_6] : memref<4096x128xf32, #tpu.memory_space<vmem>>, vector<256x128xf32>
    %swap3A = arith.constant 0 : index
    %swap3A_8 = arith.constant 0 : index
    %swap3A_9 = vector.load %arg2[%swap3A, %swap3A_8] : memref<256x128xf32, #tpu.memory_space<vmem>>, vector<256x128xf32>
    tpu.vector_store %arg2[%swap3A, %swap3A_8], %get3A_7 {strides = array<i32>} : memref<256x128xf32, #tpu.memory_space<vmem>>, vector<256x128xf32>,
    %dot_general3A = arith.constant dense<0.000000e+00> : vector<256x4096xf32>
    %dot_general3A_10 = tpu.matmul %get3A_7, %get3A_3, %dot_general3A {dimension_numbers = #tpu.dot_dimension_numbers<[1], [1], [0], [0], [0, 0, 1, 0], [], []>, transpose_lhs_hint = false} : vector<256x128xf32>, vector<4096x128xf32>, vector<256x4096xf32> -> vector<256x4096xf32>
    %iota3A = tpu.iota {dimensions = array<i32: 1>} : vector<256x4096xi32>
    %mul3A_11 = arith.constant 256 : i32
    %mul3A_12 = arith.muli %arg0, %mul3A_11 : i32
    %iota3A_13 = tpu.iota {dimensions = array<i32: 0>} : vector<256x4096xi32>
    %add3A = vector.broadcast %mul3A_12 : i32 to vector<256x4096xi32>
    %add3A_14 = arith.addi %add3A, %iota3A_13 : vector<256x4096xi32>
    %eq3A_15 = arith.cmpi eq, %iota3A, %add3A_14 : vector<256x4096xi32>
    %jit3A = arith.constant -2.000000e+00 : f32
    %broadcast_in_dim3A = vector.broadcast %jit3A : f32 to vector<256x4096xf32>
    %select_n3A = arith.select %eq3A_15, %broadcast_in_dim3A, %dot_general3A_10 : vector<256x4096xi1>, vector<256x4096xf32>
    %reduce_max3A = arith.constant dense<0xFF800000> : vector<256xf32>
    %reduce_max3A_16 = vector.multi_reduction <maximumf>, %select_n3A, %reduce_max3A [1] : vector<256x4096xf32> to vector<256xf32>
    %argmax3A = tpu.reduce_index %select_n3A {axis = 1 : i32, kind = #tpu.reduction_kind<arg_max>} : vector<256x4096xf32> -> vector<256xi32>
    %gt3A = arith.constant 0.0200001299 : f32
    %gt3A_17 = vector.broadcast %gt3A : f32 to vector<256xf32>
    %gt3A_18 = arith.cmpf ogt, %reduce_max3A_16, %gt3A_17 : vector<256xf32>
    %jit3A_19 = arith.constant 0 : i32
    %broadcast_in_dim3A_20 = vector.broadcast %jit3A_19 : i32 to vector<256xi32>
    %select_n3A_21 = arith.select %gt3A_18, %argmax3A, %broadcast_in_dim3A_20 : vector<256xi1>, vector<256xi32>
    %swap3A_22 = arith.constant 0 : index
    %swap3A_23 = vector.load %arg3[%swap3A_22] : memref<256xi32, #tpu.memory_space<vmem>>, vector<256xi32>
    tpu.vector_store %arg3[%swap3A_22], %select_n3A_21 {strides = array<i32>} : memref<256xi32, #tpu.memory_space<vmem>>, vector<256xi32>,
    return
  }
  func.func @transform_0(%arg0: i32) -> (i32, i32) {
    %c0_i32 = arith.constant 0 : i32
    %c0_i32_0 = arith.constant 0 : i32
    %c0_i32_1 = arith.constant 0 : i32
    return %c0_i32, %c0_i32_0 : i32, i32
  }
  func.func @transform_1(%arg0: i32) -> (i32, i32) {
    %c0_i32 = arith.constant 0 : i32
    %c0_i32_0 = arith.constant 0 : i32
    return %arg0, %c0_i32 : i32, i32
  }
  func.func @transform_2(%arg0: i32) -> i32 {
    %c0_i32 = arith.constant 0 : i32
    return %arg0 : i32
  }
}

</mosaic_0001>

<sc_bundles>
// kernel: kernel.4.cloned.1.call-start
scs
__scs_entry_jumppad:
0x0: {  	(pc) =	sbr.rel $0x88, $3  }
0x1: {  	(tag) =	ssettag $0x0;
	lr =	simm.s32 $0x1  }
0x2: {  	[smem:$0x3FA0] =	sst lr;
	_ =	strace $0xD0000000  }
0x3: {  	_ = 	snop  }
0x4: {  	_ = 	snop  }
0x5: {  	_ = 	snop  }
0x6: {  	_ = 	snop  }
0x7: {  	_ = 	snop  }
__scs_overlays_trampoline_lowered:
0x8: {  	[smem:$0x3FAF] =	sst s0  }
0x9: {  	[smem:$0x3FB0] =	sst s1  }
0xa: {  	[smem:$0x3FB1] =	sst s2  }
0xb: {  	[smem:$0x3FB2] =	sst s3  }
0xc: {  	[smem:$0x3FB3] =	sst s4  }
0xd: {  	[smem:$0x3FB4] =	sst s5  }
0xe: {  	[smem:$0x3FB5] =	sst s6  }
0xf: {  	[smem:$0x3FB6] =	sst s7  }
0x10: {  	[smem:$0x3FB7] =	sst s8  }
0x11: {  	[smem:$0x3FB8] =	sst s9;
	s0 =	simm.s32 @!p0 $0x0  }
0x12: {  	s1 =	sld [smem:$0x3F9E];
	s0 =	simm.s32 @p0 $0x1  }
0x13: {  	[smem:$0x3FB9] =	sst s0;
	s0 =	simm.s32 @!p1 $0x0  }
0x14: {  	s2 =	sld [smem:$0x3F9D];
	s0 =	simm.s32 @p1 $0x1  }
0x15: {  	[smem:$0x3FBA] =	sst s0;
	s0 =	simm.s32 @!p2 $0x0  }
0x16: {  	s3 =	sld [smem:$0x3FDB];
	s0 =	simm.s32 @p2 $0x1  }
0x17: {  	s4 =	simm.s32 $0x1BF5;
	[smem:$0x3FBC] =	sst s0  }
0x18: {  	s0 =	sld [smem:$0x3F9F];
	_ =	swait.ge [sflag:s4], $0x0  }
0x19: {  	s7 =	sld [smem:$0x3FA0]  }
0x1a: {  	s8 =	sadd.s32 $0xFFFFE003, lr  }
0x1b: {  	s9 =	sadd.s32 $0xFFFFFEF7, lr;
	s5 =	simm.s32 $0xFFFFFFFF;
	p2 =	slt.u32 s8, $0xFFFFF086  }
0x1c: {  	p1 =	slt.u32 s9, $0xF7A;
	s5 =	simm.s32 @!p2 $0x0  }
0x1d: {  	s5 =	simm.s32 @p1 $0x1;
	p0 =	seq.s32 s7, s2  }
0x1e: {  	s7 =	smul.u32 @!p0 $0xF7A, s2;
	p2 =	seq.s32 @!p0 s5, $0x0  }
0x1f: {  	s9 =	smul.u32 $0xF7A, s1;
	s8 =	simm.s32 @!p0 $0x1BF5;
	p2 =	por !p2, p0  }
0x20: {  	[sflag:s8] =	ssyncset.s32 @!p0 $0xFFFFF086;
	s6 =	sadd.s32 @!p0 s3, s7;
	s7 =	simm.s32 @!p0 $0x108  }
0x21: {  	s3 =	sadd.s32 s3, s9;
	s6 =	sadd.s32 @!p0 $0x88, s6;
	s7 =	simm.s32 @p2 $0x1082  }
0x22: {  	[simem:s7], [sflag:s8] =	dma.local @!p0 [hbm:s6], $0xF7A  }
0x23: {  	s9 =	sor.u32 $0xD0000000, s2;
	s6 =	simm.s32 $0x108;
	_ =	swait.ge @!p0 [sflag:s8], $0x0  }
0x24: {  	s3 =	sadd.s32 $0x88, s3;
	s6 =	simm.s32 @!p1 $0x1082;
	[sflag:s4] =	ssyncset.s32 $0xFFFFF086  }
0x25: {  	[simem:s6], [sflag:s4] =	dma.local [hbm:s3], $0xF7A  }
0x26: {  	[smem:$0x3FA0] =	sst s1;
	(tag) =	ssettag s2;
	_ =	strace s9  }
0x27: {  	s1 =	sld [smem:$0x3FB0]  }
0x28: {  	s2 =	sld [smem:$0x3FB1]  }
0x29: {  	s4 =	sld [smem:$0x3FB3]  }
0x2a: {  	p0 =	seq.s32 s5, $0x0;
	s5 =	sld [smem:$0x3FB4]  }
0x2b: {  	s6 =	sld [smem:$0x3FB5]  }
0x2c: {  	s7 =	sld [smem:$0x3FB6]  }
0x2d: {  	s3 =	simm.s32 $0x108;
	s8 =	sld [smem:$0x3FB7]  }
0x2e: {  	s3 =	simm.s32 @!p0 $0x1082;
	s9 =	sld [smem:$0x3FB8]  }
0x2f: {  	lr =	sadd.s32 s0, s3;
	s0 =	sld [smem:$0x3FAF]  }
0x30: {  	s3 =	sld [smem:$0x3FB2]  }
0x31: {  	[smem:$0x3FBB] =	sst s10  }
0x32: {  	s10 =	sld [smem:$0x3FB9];
	_ =	sdelay $0x3  }
0x33: {  	p0 =	seq.s32 s10, $0x1;
	s10 =	sld [smem:$0x3FBB];
	_ =	sdelay $0x3  }
0x34: {  	[smem:$0x3FBB] =	sst s10  }
0x35: {  	s10 =	sld [smem:$0x3FBA];
	_ =	sdelay $0x3  }
0x36: {  	p1 =	seq.s32 s10, $0x1;
	s10 =	sld [smem:$0x3FBB];
	_ =	sdelay $0x3  }
0x37: {  	[smem:$0x3FBB] =	sst s10  }
0x38: {  	s10 =	sld [smem:$0x3FBC]  }
0x39: {  	_ = 	snop;
	(pc) =	sbr.ind lr, $3  }
0x3a: {  	_ = 	snop  }
0x3b: {  	_ = 	snop  }
0x3c: {  	p2 =	seq.s32 s10, $0x1;
	s10 =	sld [smem:$0x3FBB]  }
0x3d: {  	_ =	shalt  }
0x3e: {  	_ =	shalt  }
0x3f: {  	_ =	shalt  }
0x40: {  	_ =	shalt  }
0x41: {  	_ =	shalt  }
0x42: {  	_ =	shalt  }
0x43: {  	_ =	shalt  }
0x44: {  	_ =	shalt  }
0x45: {  	_ =	shalt  }
0x46: {  	_ =	shalt  }
0x47: {  	_ =	shalt  }
0x48: {  	_ =	shalt  }
0x49: {  	_ =	shalt  }
0x4a: {  	_ =	shalt  }
0x4b: {  	_ =	shalt  }
0x4c: {  	_ =	shalt  }
0x4d: {  	_ =	shalt  }
0x4e: {  	_ =	shalt  }
0x4f: {  	_ =	shalt  }
0x50: {  	_ =	shalt  }
0x51: {  	_ =	shalt  }
0x52: {  	_ =	shalt  }
0x53: {  	_ =	shalt  }
0x54: {  	_ =	shalt  }
0x55: {  	_ =	shalt  }
0x56: {  	_ =	shalt  }
0x57: {  	_ =	shalt  }
0x58: {  	_ =	shalt  }
0x59: {  	_ =	shalt  }
0x5a: {  	_ =	shalt  }
0x5b: {  	_ =	shalt  }
0x5c: {  	_ =	shalt  }
0x5d: {  	_ =	shalt  }
0x5e: {  	_ =	shalt  }
0x5f: {  	_ =	shalt  }
0x60: {  	_ =	shalt  }
0x61: {  	_ =	shalt  }
0x62: {  	_ =	shalt  }
0x63: {  	_ =	shalt  }
0x64: {  	_ =	shalt  }
0x65: {  	_ =	shalt  }
0x66: {  	_ =	shalt  }
0x67: {  	_ =	shalt  }
0x68: {  	_ =	shalt  }
0x69: {  	_ =	shalt  }
0x6a: {  	_ =	shalt  }
0x6b: {  	_ =	shalt  }
0x6c: {  	_ =	shalt  }
0x6d: {  	_ =	shalt  }
0x6e: {  	_ =	shalt  }
0x6f: {  	_ =	shalt  }
0x70: {  	_ =	shalt  }
0x71: {  	_ =	shalt  }
0x72: {  	_ =	shalt  }
0x73: {  	_ =	shalt  }
0x74: {  	_ =	shalt  }
0x75: {  	_ =	shalt  }
0x76: {  	_ =	shalt  }
0x77: {  	_ =	shalt  }
0x78: {  	_ =	shalt  }
0x79: {  	_ =	shalt  }
0x7a: {  	_ =	shalt  }
0x7b: {  	_ =	shalt  }
0x7c: {  	_ =	shalt  }
0x7d: {  	_ =	shalt  }
0x7e: {  	_ =	shalt  }
0x7f: {  	_ =	shalt  }
0x80: {  	_ =	shalt  }
0x81: {  	_ =	shalt  }
0x82: {  	_ =	shalt  }
0x83: {  	_ =	shalt  }
0x84: {  	_ =	shalt  }
0x85: {  	_ =	shalt  }
0x86: {  	_ =	shalt  }
0x87: {  	_ =	shalt  }
.Lfunc_end0:
.L_simem_size_0:
called_computation_lowered:
.L_overlay_start_0:
0x88: {  	s2 =	sld [smem:$0x3FD9]  }
0x89: {  	s3 =	sld [smem:$0x3FFE];
	_ =	sdelay $0x1  }
0x8a: {  	s1 =	srdreg.scid  }
0x8b: {  	s0 =	sand.u32 $0x1, s1  }
0x8c: {  	s14 =	sshll.u32 s0, $0xA;
	s2 =	sadd.s32 s3, s2  }
0x8d: {  	s2 =	sadd.s32 s2, s14  }
0x8e: {  	[smem:$0x3FC7] =	sst s2  }
0x8f: {  	_ = 	snop  }
0x90: {  	s2 =	sld [smem:$0x3FD0];
	_ =	sdelay $0x2  }
0x91: {  	s15 =	simm.s32 $0xA;
	s4 =	simm.s32 $0x10  }
0x92: {  	[smem:s4], [sflag:s15] =	dma.local [hbm:s2], $0x1  }
0x93: {  	_ =	swait.eq [sflag:s15], $0x1  }
0x94: {  	[sflag:s15] =	ssyncset.done $0x0  }
0x95: {  	[sflag:s15] =	ssyncadd.s32 $0xFFFFFFFF  }
0x96: {  	s16 =	sld [smem:$0x11];
	(tm) =	ssettm $0x1  }
0x97: {  	s17 =	sld [smem:$0x3FFB];
	_ =	sdelay $0x3  }
0x98: {  	_ =	strace s17  }
0x99: {  	s3 =	sld [smem:$0x3FFC];
	_ =	sdelay $0x3  }
0x9a: {  	_ =	strace s3  }
0x9b: {  	s3 =	sld [smem:$0x3FFD];
	_ =	sdelay $0x3  }
0x9c: {  	_ =	strace s3  }
0x9d: {  	_ =	strace $0x8FFFFFFF  }
0x9e: {  	s18 =	sld [smem:$0x3FDB];
	_ =	sdelay $0x1  }
0x9f: {  	s19 =	simm.s32 $_scs_section_size  }
0xa0: {  	s5 =	simm.s32 $_size__tile_overlayer_lowered;
	s6 =	simm.s32 $_tile_overlayer_lowered  }
0xa1: {  	s22 =	simm.s32 $0x1BFF;
	s21 =	sshll.u32 s6, $0x1;
	s3 =	sadd.s32 s19, s18  }
0xa2: {  	s7 =	simm.s32 $0x0;
	s20 =	sshll.u32 s5, $0x1;
	s5 =	sadd.s32 s21, s3  }
0xa3: {  	[timem:s7], [sflag:s22] =	dma.local [hbm:s5], s20  }
0xa4: {  	_ =	swait.ge [sflag:s22], s20  }
0xa5: {  	s4 =	ssub.s32 $0x0, s20;
	[sflag:s22] =	ssyncset.done $0x0  }
0xa6: {  	[sflag:s22] =	ssyncadd.s32 s4;
	_ =	sdelay $0x1  }
0xa7: {  	s23 =	simm.s32 $0x1B8B  }
0xa8: {  	_ =	swait.ge [sflag:s23], $0x1  }
0xa9: {  	[sflag:s23] =	ssyncset.done $0x0  }
0xaa: {  	s25 =	simm.s32 $0x1B8E;
	s24 =	sld [smem:$0x3FFE];
	[sflag:s23] =	ssyncadd.s32 $0xFFFFFFFF  }
0xab: {  	s26 =	simm.s32 $execute0_lowered;
	[smem:$0x3FD2] =	sst s25  }
0xac: {  	s5 =	sshll.u32 s26, $0x1;
	_ =	strace $0x80000046;
	[dreg:$0x1] =	wrdreg $0xFFFFFFFF  }
0xad: {  	s28 =	simm.s32 $_size_execute0_lowered;
	s3 =	sadd.s32 s3, s5;
	[dreg:$0x0] =	wrdreg $0x0  }
0xae: {  	s5 =	sshll.u32 s28, $0x1;
	[dreg:$0x2] =	wrdreg s3  }
0xaf: {  	[dreg:$0x3] =	wrdreg s5  }
0xb0: {  	[dreg:$0x4] =	wrdreg $0xC0  }
0xb1: {  	_ =	task [dreg:s7], $0x5FFFF  }
0xb2: {  	[dreg:$0x1] =	wrdreg $0xFFFFFFFF  }
0xb3: {  	[dreg:$0x0] =	wrdreg $0x60  }
0xb4: {  	[dreg:$0x2] =	wrdreg s24  }
0xb5: {  	[dreg:$0x3] =	wrdreg s16  }
0xb6: {  	[dreg:$0x4] =	wrdreg $0x9  }
0xb7: {  	_ =	task.clear_ibuf [dreg:s7], $0x5FFFF;
	_ =	strace $0x90000046  }
0xb8: {  	s29 =	simm.s32 $0x9;
	_ =	strace $0x80000048  }
0xb9: {  	_ =	swait.ge [sflag:s29], $0x1  }
0xba: {  	[sflag:s29] =	ssyncadd.s32 $0xFFFFFFFF  }
0xbb: {  	_ =	strace $0x90000048  }
0xbc: {  	_ =	sfence  }
0xbd: {  	s30 =	sld [smem:$0x0];
	_ =	sdelay $0x2  }
0xbe: {  	s31 =	sshll.u32 s1, $0xD;
	s1 =	sshrl.u32 s1, $0x2  }
0xbf: {  	s3 =	sand.u32 $0x4000, s31;
	s1 =	sadd.s32 s1, s30  }
0xc0: {  	s0 =	sor.u32 s3, s0;
	s1 =	sshll.u32 s1, $0x11  }
0xc1: {  	s0 =	sor.u32 s1, s0  }
0xc2: {  	s0 =	sadd.s32 $0x8F2B, s0  }
0xc3: {  	[sflag:s0] =	ssyncadd.remote.s32 $0x1  }
0xc4: {  	_ =	sfence.sel $0xFFFF  }
0xc5: {  	[dreg:$0x0] =	wrdreg $0xFFFFFFFF;
	(pc) =	sbr.abs _section_cstart, $3  }
0xc6: {  	[dreg:$0x1] =	wrdreg $0xFFFFFFFF  }
0xc7: {  	_ =	task.clear_ibuf [dreg:s7], $0x2FFFF;
	_ =	strace $0x9FFFFFFF  }
0xc8: {  	(tm) =	ssettm $0x7FFFFFFF  }
0xc9: {  	_ =	shalt  }
tec
execute0_lowered:
.L_overlay_start_1:
0x0: {  	(tag) =	ssettag $0x1  }
0x1: {  	v0 =	vimm.s32 $0x8380;
	vm0 =	vcmask $0x300  }
0x2: {  	vm14 =	vcmask $0x704;
	v0 =	vsel vm0, $0x0, v0  }
0x3: {  	vm15 =	vcmask $0xB08;
	v0 =	vsel vm14, $0x80, v0  }
0x4: {  	vm4 =	vcmask $0xF0C;
	v0 =	vsel vm15, $0x100, v0  }
0x5: {  	s1 =	srdreg.scid;
	vm5 =	vcmask $0x1310;
	v0 =	vsel vm4, $0x180, v0  }
0x6: {  	s3 =	rddreg [dreg:$0x0];
	s0 =	stileid.u32;
	vm6 =	vcmask $0x1714;
	v0 =	vsel vm5, $0x200, v0  }
0x7: {  	s5 =	rddreg [dreg:$0x1];
	vm7 =	vcmask $0x1B18;
	s2 =	simm.s32 $0x0;
	s14 =	simm.s32 $0x80;
	v0 =	vsel vm6, $0x280, v0  }
0x8: {  	vm8 =	vcmask $0x1F1C;
	s15 =	simm.s32 $0x1;
	s16 =	simm.s32 $0x2;
	s17 =	simm.s32 $0x3;
	v0 =	vsel vm7, $0x300, v0  }
0x9: {  	vm9 =	vcmask $0x2320;
	s4 =	sand.u32 $0x1, s1;
	s6 =	sshll.u32 s0, $0x8;
	s1 =	rddreg [dreg:$0x2];
	v0 =	vsel vm8, $0x380, v0  }
0xa: {  	vm10 =	vcmask $0x2724;
	[smem:$0x7FF] =	sst s2;
	s7 =	sshll.u32 s4, $0x7;
	s4 =	ssub.s32 $0x2, s4;
	v0 =	vsel vm9, $0x8000, v0  }
0xb: {  	vm11 =	vcmask $0x2B28;
	_ =	strace $0x80000047;
	s6 =	sor.u32 s7, s6;
	s8 =	sshrl.u32 s4, $0x1;
	v0 =	vsel vm10, $0x8080, v0  }
0xc: {  	vm12 =	vcmask $0x2F2C;
	s7 =	sshrl.u32 s6, $0x3;
	s6 =	sshll.u32 s6, $0x9;
	s13 =	ssub.s32 s4, s8;
	v0 =	vsel vm11, $0x8100, v0  }
0xd: {  	vm13 =	vcmask $0x3330;
	s7 =	sadd.s32 s7, s3;
	s3 =	sadd.s32 $0xC00, s3;
	s5 =	sadd.s32 s5, s6;
	v0 =	vsel vm12, $0x8180, v0  }
0xe: {  	vm14 =	vcmask $0x3734;
	s13 =	smax.u32 s13, $0x1;
	s4 =	sadd.s32 $0xA00, s7;
	s6 =	sadd.s32 $0x2000, s5;
	v0 =	vsel vm13, $0x8200, v0  }
0xf: {  	vm15 =	vcmask $0x3B38;
	s7 =	sadd.s32 $0x4000, s5;
	s8 =	sadd.s32 $0x6000, s5;
	s9 =	sadd.s32 $0x8000, s5;
	v0 =	vsel vm14, $0x8280, v0  }
0x10: {  	v1 =	vimm.f32 $0.0e+00;
	v2 =	vimm.f32 $1.000000000e+00;
	s10 =	sadd.s32 $0xA000, s5;
	s11 =	sadd.s32 $0xC000, s5;
	s12 =	sadd.s32 $0xE000, s5;
	v0 =	vsel vm15, $0x8300, v0  }
.LBB2_1:
0x11: {  	[tilespmem:s2], [sflag:$0x1] =	stream.linear.gather [hbm4b:s4+s2], $0x80, $0x38;
	[tilespmem:$0x10080] =	vst v63  }
0x12: {  	_ = 	snop  }
0x13: {  	[tilespmem:s14], [sflag:$0x2] =	stream.linear.gather [hbm4b:s3+s2], $0x10000, $0x38;
	[tilespmem:$0x10080] =	vst v63  }
0x14: {  	_ =	swait.ge [sflag:s15], $0x80  }
0x15: {  	[sflag:s15] =	ssyncset.done $0x0  }
0x16: {  	[sflag:s15] =	ssyncadd.s32 $0xFFFFFF80  }
0x17: {  	_ =	swait.ge [sflag:s16], $0x10000  }
0x18: {  	[sflag:s16] =	ssyncset.done $0x0  }
0x19: {  	[sflag:s16] =	ssyncadd.s32 $0xFFFF0000  }
0x1a: {  	v3 =	vld [tilespmem:$0x0];
	_ =	sdelay $0x4  }
0x1b: {  	v4 =	vshll.u32 v3, $0x3  }
0x1c: {  	v3 =	vand.u32 $0x7F, v3;
	v4 =	vand.u32 $0xFFFFFC00, v4  }
0x1d: {  	v3 =	vor.u32 v3, v4  }
0x1e: {  	v3 =	vadd.s32 v0, v3;
	_ =	sdelay $0x4  }
0x1f: {  	[tilespmem:v3+s14+$0x0] =	vst.idx.msk $0xffff, v1  }
0x20: {  	[hbm4b:s5+s2] =	stream.linear.scatter [tilespmem:s14], [sflag:$0x3], $0x10000, $0x38;
	[tilespmem:$0x10080] =	vst v63  }
0x21: {  	_ =	swait.ge [sflag:s17], $0x10000  }
0x22: {  	[sflag:s17] =	ssyncset.done $0x0  }
0x23: {  	[sflag:s17] =	ssyncadd.s32 $0xFFFF0000  }
0x24: {  	[tilespmem:v3+s14+$0x0] =	vst.idx.msk $0xffff, v2  }
0x25: {  	v3 =	vld [tilespmem:$0x10];
	_ =	sdelay $0x4  }
0x26: {  	v57 =	vshll.u32 v3, $0x3  }
0x27: {  	v3 =	vand.u32 $0x7F, v3;
	v4 =	vand.u32 $0xFFFFFC00, v57  }
0x28: {  	v3 =	vor.u32 v3, v4  }
0x29: {  	v3 =	vadd.s32 v0, v3;
	_ =	sdelay $0x4  }
0x2a: {  	[tilespmem:v3+s14+$0x0] =	vst.idx.msk $0xffff, v1  }
0x2b: {  	[hbm4b:s6+s2] =	stream.linear.scatter [tilespmem:s14], [sflag:$0x3], $0x10000, $0x38;
	[tilespmem:$0x10080] =	vst v63  }
0x2c: {  	_ =	swait.ge [sflag:s17], $0x10000  }
0x2d: {  	[sflag:s17] =	ssyncset.done $0x0  }
0x2e: {  	[sflag:s17] =	ssyncadd.s32 $0xFFFF0000  }
0x2f: {  	[tilespmem:v3+s14+$0x0] =	vst.idx.msk $0xffff, v2  }
0x30: {  	v3 =	vld [tilespmem:$0x20];
	_ =	sdelay $0x4  }
0x31: {  	v58 =	vshll.u32 v3, $0x3  }
0x32: {  	v3 =	vand.u32 $0x7F, v3;
	v4 =	vand.u32 $0xFFFFFC00, v58  }
0x33: {  	v3 =	vor.u32 v3, v4  }
0x34: {  	v3 =	vadd.s32 v0, v3;
	_ =	sdelay $0x4  }
0x35: {  	[tilespmem:v3+s14+$0x0] =	vst.idx.msk $0xffff, v1  }
0x36: {  	[hbm4b:s7+s2] =	stream.linear.scatter [tilespmem:s14], [sflag:$0x3], $0x10000, $0x38;
	[tilespmem:$0x10080] =	vst v63  }
0x37: {  	_ =	swait.ge [sflag:s17], $0x10000  }
0x38: {  	[sflag:s17] =	ssyncset.done $0x0  }
0x39: {  	[sflag:s17] =	ssyncadd.s32 $0xFFFF0000  }
0x3a: {  	[tilespmem:v3+s14+$0x0] =	vst.idx.msk $0xffff, v2  }
0x3b: {  	v3 =	vld [tilespmem:$0x30];
	_ =	sdelay $0x4  }
0x3c: {  	v59 =	vshll.u32 v3, $0x3  }
0x3d: {  	v3 =	vand.u32 $0x7F, v3;
	v4 =	vand.u32 $0xFFFFFC00, v59  }
0x3e: {  	v3 =	vor.u32 v3, v4  }
0x3f: {  	v3 =	vadd.s32 v0, v3;
	_ =	sdelay $0x4  }
0x40: {  	[tilespmem:v3+s14+$0x0] =	vst.idx.msk $0xffff, v1  }
0x41: {  	[hbm4b:s8+s2] =	stream.linear.scatter [tilespmem:s14], [sflag:$0x3], $0x10000, $0x38;
	[tilespmem:$0x10080] =	vst v63  }
0x42: {  	_ =	swait.ge [sflag:s17], $0x10000  }
0x43: {  	[sflag:s17] =	ssyncset.done $0x0  }
0x44: {  	[sflag:s17] =	ssyncadd.s32 $0xFFFF0000  }
0x45: {  	[tilespmem:v3+s14+$0x0] =	vst.idx.msk $0xffff, v2  }
0x46: {  	v3 =	vld [tilespmem:$0x40];
	_ =	sdelay $0x4  }
0x47: {  	v60 =	vshll.u32 v3, $0x3  }
0x48: {  	v3 =	vand.u32 $0x7F, v3;
	v4 =	vand.u32 $0xFFFFFC00, v60  }
0x49: {  	v3 =	vor.u32 v3, v4  }
0x4a: {  	v3 =	vadd.s32 v0, v3;
	_ =	sdelay $0x4  }
0x4b: {  	[tilespmem:v3+s14+$0x0] =	vst.idx.msk $0xffff, v1  }
0x4c: {  	[hbm4b:s9+s2] =	stream.linear.scatter [tilespmem:s14], [sflag:$0x3], $0x10000, $0x38;
	[tilespmem:$0x10080] =	vst v63  }
0x4d: {  	_ =	swait.ge [sflag:s17], $0x10000  }
0x4e: {  	[sflag:s17] =	ssyncset.done $0x0  }
0x4f: {  	[sflag:s17] =	ssyncadd.s32 $0xFFFF0000  }
0x50: {  	[tilespmem:v3+s14+$0x0] =	vst.idx.msk $0xffff, v2  }
0x51: {  	v3 =	vld [tilespmem:$0x50];
	_ =	sdelay $0x4  }
0x52: {  	v61 =	vshll.u32 v3, $0x3  }
0x53: {  	v3 =	vand.u32 $0x7F, v3;
	v4 =	vand.u32 $0xFFFFFC00, v61  }
0x54: {  	v3 =	vor.u32 v3, v4  }
0x55: {  	v3 =	vadd.s32 v0, v3;
	_ =	sdelay $0x4  }
0x56: {  	[tilespmem:v3+s14+$0x0] =	vst.idx.msk $0xffff, v1  }
0x57: {  	[hbm4b:s10+s2] =	stream.linear.scatter [tilespmem:s14], [sflag:$0x3], $0x10000, $0x38;
	[tilespmem:$0x10080] =	vst v63  }
0x58: {  	_ =	swait.ge [sflag:s17], $0x10000  }
0x59: {  	[sflag:s17] =	ssyncset.done $0x0  }
0x5a: {  	[sflag:s17] =	ssyncadd.s32 $0xFFFF0000  }
0x5b: {  	[tilespmem:v3+s14+$0x0] =	vst.idx.msk $0xffff, v2  }
0x5c: {  	v3 =	vld [tilespmem:$0x60];
	_ =	sdelay $0x4  }
0x5d: {  	v62 =	vshll.u32 v3, $0x3  }
0x5e: {  	v3 =	vand.u32 $0x7F, v3;
	v4 =	vand.u32 $0xFFFFFC00, v62  }
0x5f: {  	v3 =	vor.u32 v3, v4  }
0x60: {  	v3 =	vadd.s32 v0, v3;
	_ =	sdelay $0x4  }
0x61: {  	[tilespmem:v3+s14+$0x0] =	vst.idx.msk $0xffff, v1  }
0x62: {  	[hbm4b:s11+s2] =	stream.linear.scatter [tilespmem:s14], [sflag:$0x3], $0x10000, $0x38;
	[tilespmem:$0x10080] =	vst v63  }
0x63: {  	_ =	swait.ge [sflag:s17], $0x10000  }
0x64: {  	[sflag:s17] =	ssyncset.done $0x0  }
0x65: {  	[sflag:s17] =	ssyncadd.s32 $0xFFFF0000  }
0x66: {  	[tilespmem:v3+s14+$0x0] =	vst.idx.msk $0xffff, v2  }
0x67: {  	v3 =	vld [tilespmem:$0x70];
	_ =	sdelay $0x4  }
0x68: {  	v63 =	vshll.u32 v3, $0x3  }
0x69: {  	v3 =	vand.u32 $0x7F, v3;
	v4 =	vand.u32 $0xFFFFFC00, v63  }
0x6a: {  	v3 =	vor.u32 v3, v4  }
0x6b: {  	v3 =	vadd.s32 v0, v3;
	_ =	sdelay $0x4  }
0x6c: {  	p0 =	sne.s32 s13, $0x1;
	[tilespmem:v3+s14+$0x0] =	vst.idx.msk $0xffff, v1  }
0x6d: {  	[hbm4b:s12+s2] =	stream.linear.scatter [tilespmem:s14], [sflag:$0x3], $0x10000, $0x38;
	[tilespmem:$0x10080] =	vst v63  }
.Ltmp0:
0x6e: {  	_ = 	snop;
	(pc) =	sbr.rel @p0 .LBB2_1-.Ltmp0, $4  }
0x6f: {  	_ =	swait.ge [sflag:s17], $0x10000  }
0x70: {  	[sflag:s17] =	ssyncset.done $0x0  }
0x71: {  	[sflag:s17] =	ssyncadd.s32 $0xFFFF0000  }
0x72: {  	s13 =	sadd.s32 $0xFFFFFFFF, s13;
	[tilespmem:v3+s14+$0x0] =	vst.idx.msk $0xffff, v2  }
0x73: {  	_ =	sfence.sel $0x180000  }
0x74: {  	[bflag:$0x0] =	sbarrier.arrive $0xFFFF  }
0x75: {  	p0 =	sne.s32 s0, $0x0;
	_ =	strace $0x90000047  }
0x76: {  	s0 =	sadd.s32 @!p0 $0x100000, s1;
	[bflag:$0x2] =	sbarrier.arrive $0xFFFF  }
0x77: {  	[sflag:s0] =	ssyncadd.tile.s32 @!p0 $0x1;
	_ =	shalt  }
.Lfunc_end2:
_tile_overlayer_lowered:
.L_overlay_start_2:
0x78: {  	(tag) =	ssettag $0x2  }
0x79: {  	s0 =	rddreg [dreg:$0x0];
	s2 =	stileid.u32  }
0x7a: {  	s1 =	rddreg [dreg:$0x1];
	p0 =	sne.s32 s2, $0x0  }
0x7b: {  	s3 =	rddreg [dreg:$0x2];
	[bflag:$0x3] =	sbarrier.arrive $0xFFFF;
	s2 =	simm.s32 @!p0 $0x1C03  }
0x7c: {  	[timem:s3], [sflag:s2] =	dma.local @!p0 [hbm:s0], s1  }
0x7d: {  	s0 =	simm.s32 @!p0 $0x3  }
0x7e: {  	_ =	swait.ge @!p0 [sflag:s0], s1  }
0x7f: {  	s1 =	ssub.s32 @!p0 $0x0, s1;
	[sflag:s0] =	ssyncset.done @!p0 $0x0  }
0x80: {  	[sflag:s0] =	ssyncadd.s32 @!p0 s1  }
0x81: {  	[bflag:$0x3] =	sbarrier.arrive $0xFFFF  }
0x82: {  	_ =	shalt  }

</sc_bundles>
